<compile_context>
chip_gen: v7x
topology: tpu7x:2x2x1
jax: 0.10.2.dev20260603
libtpu: 0.0.44.dev20260713+nightly
codegen_flags: <defaults>
</compile_context>

<pallas_src>
import jax
import jax.numpy as jnp
from jax import lax
from jax.experimental import pallas as pl
from jax.experimental.pallas import tpu as pltpu
from jax.experimental.pallas import tpu_sc as plsc

K = 129
D_MODEL = 1024
NUM_HEADS = 16
SCALE = 32.0

HALF0 = 64
RPS = 8


def _scale_rows(buf, nrows):
    for r in range(nrows):
        def body(i, carry, r=r):
            sl = pl.ds(i * 16, 16)
            buf[r, sl] = buf[r, sl] * SCALE
            return carry
        lax.fori_loop(0, D_MODEL // 16, body, 0)


def _sc_body(wv, ov, shared, buf, sem):
    s = lax.axis_index("s")
    c = lax.axis_index("c")

    @pl.when(s < 8)
    def _stage():
        base = c * HALF0 + s * RPS
        pltpu.sync_copy(wv.at[pl.ds(base, RPS)], buf)
        _scale_rows(buf, RPS)
        pltpu.sync_copy(buf, shared.at[pl.ds(s * RPS, RPS)])

    plsc.subcore_barrier()

    @pl.when(c == 0)
    def _lo():
        pltpu.async_copy(shared.at[pl.ds(0, HALF0)],
                         ov.at[0, s, pl.ds(0, HALF0)], sem).wait()

    @pl.when(c == 1)
    def _hi():
        d = pltpu.async_copy(shared.at[pl.ds(0, HALF0)],
                             ov.at[0, s, pl.ds(HALF0, HALF0)], sem)
        pltpu.sync_copy(wv.at[pl.ds(K - 1, 1)], buf.at[pl.ds(0, 1)])
        _scale_rows(buf, 1)
        pltpu.sync_copy(buf.at[pl.ds(0, 1)], ov.at[0, s, pl.ds(K - 1, 1)])
        d.wait()


def _sc_rel_v(Wv):
    out = jax.ShapeDtypeStruct((1, NUM_HEADS, K, D_MODEL), jnp.float32)
    mesh = plsc.VectorSubcoreMesh(core_axis_name="c", subcore_axis_name="s")
    f = pl.kernel(
        _sc_body,
        out_type=out,
        mesh=mesh,
        scratch_types=[
            pltpu.VMEM_SHARED((HALF0, D_MODEL), jnp.float32),
            pltpu.VMEM((RPS, D_MODEL), jnp.float32),
            pltpu.SemaphoreType.DMA,
        ],
    )
    return f(Wv)


HEADS_PER_STEP = 4


def _tc_body(wq_ref, wk_ref, oq_ref, ok_ref):
    for o_ref, w_ref in ((oq_ref, wq_ref), (ok_ref, wk_ref)):
        w = w_ref[...] * SCALE
        o_ref[0] = jnp.broadcast_to(w[None], (HEADS_PER_STEP, K, D_MODEL))


def _tc_rel_qk(Wq, Wk):
    in_spec = pl.BlockSpec((K, D_MODEL), lambda h: (0, 0))
    out_spec = pl.BlockSpec(
        (1, HEADS_PER_STEP, K, D_MODEL), lambda h: (0, h, 0, 0)
    )
    out_shape = jax.ShapeDtypeStruct((1, NUM_HEADS, K, D_MODEL), jnp.float32)
    return pl.pallas_call(
        _tc_body,
        grid=(NUM_HEADS // HEADS_PER_STEP,),
        in_specs=[in_spec, in_spec],
        out_specs=[out_spec, out_spec],
        out_shape=[out_shape, out_shape],
        compiler_params=pltpu.CompilerParams(
            dimension_semantics=("parallel",)
        ),
    )(Wq, Wk)


def kernel(Wq, Wk, Wv):
    rel_v = _sc_rel_v(Wv)
    rel_q, rel_k = _tc_rel_qk(Wq, Wk)
    return (rel_q, rel_k, rel_v)

# --- scband reference (transcript-rebuilt; emitter-appended) ---
"""Pipeline reference for scband-rel-embeddings-52647709114812 (READ-ONLY COPY).

The authoritative reference and input builder live on the scoring server;
editing this copy changes nothing except your own understanding.
"""

import jax, jax.numpy as jnp
import numpy as np
import math

D_MODEL = 1024
NUM_HEADS = 16
K = 129  # k + 1


def setup_inputs(seed: int = 0) -> dict:
    key = jax.random.key(seed)
    k1, k2, k3 = jax.random.split(key, 3)
    Wq = jax.random.normal(k1, (K, D_MODEL), dtype=jnp.float32)
    Wk = jax.random.normal(k2, (K, D_MODEL), dtype=jnp.float32)
    Wv = jax.random.normal(k3, (K, D_MODEL), dtype=jnp.float32)
    # padding_idx=0 -> row 0 zeroed at init, as nn.Embedding does
    Wq = Wq.at[0].set(0.0)
    Wk = Wk.at[0].set(0.0)
    Wv = Wv.at[0].set(0.0)
    return {"Wq": Wq, "Wk": Wk, "Wv": Wv}


def _get_rel_weights(W):
    # rel_params = W * sqrt(d_model); dropout is identity (p=0.0)
    r = W * math.sqrt(D_MODEL)
    r = r[None, None, :, :]                 # unsqueeze(0).unsqueeze(0)
    r = jnp.tile(r, (1, NUM_HEADS, 1, 1))   # repeat(1, num_heads, 1, 1)
    return r


def reference(Wq, Wk, Wv):
    rel_q = _get_rel_weights(Wq)
    rel_k = _get_rel_weights(Wk)
    rel_v = _get_rel_weights(Wv)
    return (rel_q, rel_k, rel_v)

if __name__ == "__main__":
    import jax
    _d = setup_inputs()
    print(jax.jit(kernel)(*tuple(_d.values())))

</pallas_src>

<mosaic_0001>
#map = affine_map<(d0, d1) -> (0, 0)>
#map1 = affine_map<(d0, d1) -> (0, 0, 0, 0)>
module attributes {stable_mosaic.version = 14 : i64} {
  func.func @_sc_body(%arg0: i32, %arg1: i32, %arg2: memref<129x1024xf32, #tpu.memory_space<hbm>>, %arg3: memref<1x16x129x1024xf32, #tpu.memory_space<hbm>>, %arg4: memref<64x1024xf32, #tpu.memory_space<vmem_shared>>, %arg5: memref<8x1024xf32, #tpu.memory_space<vmem>>, %arg6: memref<!tpu.dma_semaphore, #tpu.memory_space<semaphore_mem>>) attributes {dimension_semantics = [#tpu.dimension_semantics<core_parallel>, #tpu.dimension_semantics<subcore_parallel>], iteration_bounds = array<i64: 2, 16>, scalar_prefetch = 0 : i64, scratch_operands = 3 : i64, tpu.core_type = #tpu.core_type<sc_vector_subcore>, window_params = [{transform_indices = #map}, {transform_indices = #map1}]} {
    %lt3A = arith.constant 8 : i32
    %lt3A_0 = arith.cmpi slt, %arg1, %lt3A : i32
    %convert_element_type3A = arith.extui %lt3A_0 : i1 to i32
    %cond3A = arith.constant 0 : i32
    %cond3A_1 = arith.cmpi ne, %convert_element_type3A, %cond3A : i32
    scf.if %cond3A_1 {
      %mul3A = arith.constant 64 : i32
      %mul3A_11 = arith.muli %arg0, %mul3A : i32
      %mul3A_12 = arith.constant 8 : i32
      %mul3A_13 = arith.muli %arg1, %mul3A_12 : i32
      %add3A = arith.addi %mul3A_11, %mul3A_13 : i32
      "tpu.region"() ({
        %run_scoped3A = tpu.sem_alloc : memref<!tpu.dma_semaphore, #tpu.memory_space<semaphore_mem>>
        %dma_start3A = arith.constant 0 : i32
        %dma_start3A_63 = tpu.memref_slice %arg2[%add3A, %dma_start3A] : memref<129x1024xf32, #tpu.memory_space<hbm>> -> memref<8x1024xf32, #tpu.memory_space<hbm>>
        %dma_start3A_64 = arith.constant 0 : i32
        %dma_start3A_65 = tpu.memref_slice %arg2[%add3A, %dma_start3A_64] : memref<129x1024xf32, #tpu.memory_space<hbm>> -> memref<8x1024xf32, #tpu.memory_space<hbm>>
        tpu.enqueue_dma source(%dma_start3A_65 : memref<8x1024xf32, #tpu.memory_space<hbm>>) target(%arg5 : memref<8x1024xf32, #tpu.memory_space<vmem>>) target_semaphore(%run_scoped3A : memref<!tpu.dma_semaphore, #tpu.memory_space<semaphore_mem>>)
        %dma_wait3A = arith.constant 0 : i32
        %dma_wait3A_66 = tpu.memref_slice %arg2[%add3A, %dma_wait3A] : memref<129x1024xf32, #tpu.memory_space<hbm>> -> memref<8x1024xf32, #tpu.memory_space<hbm>>
        %dma_wait3A_67 = arith.constant 0 : i32
        %dma_wait3A_68 = tpu.memref_slice %arg2[%add3A, %dma_wait3A_67] : memref<129x1024xf32, #tpu.memory_space<hbm>> -> memref<8x1024xf32, #tpu.memory_space<hbm>>
        tpu.wait_dma2 semaphore(%run_scoped3A : memref<!tpu.dma_semaphore, #tpu.memory_space<semaphore_mem>>) src(%dma_wait3A_68 : memref<8x1024xf32, #tpu.memory_space<hbm>>) dst(%arg5 : memref<8x1024xf32, #tpu.memory_space<vmem>>)
        tpu.yield
      }) : () -> ()
      %scan3A = arith.constant 0 : i32
      %scan3A_14 = arith.constant 0 : i32
      %scan3A_15 = arith.constant 64 : i32
      %scan3A_16 = arith.addi %scan3A_14, %scan3A_15 : i32
      %scan3A_17 = arith.constant 1 : i32
      scf.for %scan3A_63 = %scan3A_14 to %scan3A_16 step %scan3A_17  : i32 {
        %mul3A_64 = arith.constant 16 : i32
        %mul3A_65 = arith.muli %scan3A_63, %mul3A_64 : i32
        %get3A = arith.constant 0 : i32
        %get3A_66 = arith.index_cast %get3A : i32 to index
        %get3A_67 = arith.index_cast %mul3A_65 : i32 to index
        %get3A_68 = tpu.vector_load %arg5[%get3A_66, %get3A_67] {strides = array<i32>} : memref<8x1024xf32, #tpu.memory_space<vmem>>, vector<1x16xf32>,
        %get3A_69 = vector.shape_cast %get3A_68 : vector<1x16xf32> to vector<16xf32>
        %mul3A_70 = arith.constant 3.200000e+01 : f32
        %mul3A_71 = vector.broadcast %mul3A_70 : f32 to vector<16xf32>
        %mul3A_72 = arith.mulf %get3A_69, %mul3A_71 : vector<16xf32>
        %swap3A = arith.constant 0 : i32
        %swap3A_73 = arith.index_cast %swap3A : i32 to index
        %swap3A_74 = arith.index_cast %mul3A_65 : i32 to index
        %swap3A_75 = tpu.vector_load %arg5[%swap3A_73, %swap3A_74] {strides = array<i32>} : memref<8x1024xf32, #tpu.memory_space<vmem>>, vector<1x16xf32>,
        %swap3A_76 = vector.shape_cast %swap3A_75 : vector<1x16xf32> to vector<16xf32>
        %swap3A_77 = vector.shape_cast %mul3A_72 : vector<16xf32> to vector<1x16xf32>
        tpu.vector_store %arg5[%swap3A_73, %swap3A_74], %swap3A_77 {strides = array<i32>} : memref<8x1024xf32, #tpu.memory_space<vmem>>, vector<1x16xf32>,
      }
      %scan3A_18 = arith.constant 64 : i32
      %scan3A_19 = arith.constant 0 : i32
      %scan3A_20 = arith.constant 0 : i32
      %scan3A_21 = arith.constant 64 : i32
      %scan3A_22 = arith.addi %scan3A_20, %scan3A_21 : i32
      %scan3A_23 = arith.constant 1 : i32
      scf.for %scan3A_63 = %scan3A_20 to %scan3A_22 step %scan3A_23  : i32 {
        %mul3A_64 = arith.constant 16 : i32
        %mul3A_65 = arith.muli %scan3A_63, %mul3A_64 : i32
        %get3A = arith.constant 1 : i32
        %get3A_66 = arith.index_cast %get3A : i32 to index
        %get3A_67 = arith.index_cast %mul3A_65 : i32 to index
        %get3A_68 = tpu.vector_load %arg5[%get3A_66, %get3A_67] {strides = array<i32>} : memref<8x1024xf32, #tpu.memory_space<vmem>>, vector<1x16xf32>,
        %get3A_69 = vector.shape_cast %get3A_68 : vector<1x16xf32> to vector<16xf32>
        %mul3A_70 = arith.constant 3.200000e+01 : f32
        %mul3A_71 = vector.broadcast %mul3A_70 : f32 to vector<16xf32>
        %mul3A_72 = arith.mulf %get3A_69, %mul3A_71 : vector<16xf32>
        %swap3A = arith.constant 1 : i32
        %swap3A_73 = arith.index_cast %swap3A : i32 to index
        %swap3A_74 = arith.index_cast %mul3A_65 : i32 to index
        %swap3A_75 = tpu.vector_load %arg5[%swap3A_73, %swap3A_74] {strides = array<i32>} : memref<8x1024xf32, #tpu.memory_space<vmem>>, vector<1x16xf32>,
        %swap3A_76 = vector.shape_cast %swap3A_75 : vector<1x16xf32> to vector<16xf32>
        %swap3A_77 = vector.shape_cast %mul3A_72 : vector<16xf32> to vector<1x16xf32>
        tpu.vector_store %arg5[%swap3A_73, %swap3A_74], %swap3A_77 {strides = array<i32>} : memref<8x1024xf32, #tpu.memory_space<vmem>>, vector<1x16xf32>,
      }
      %scan3A_24 = arith.constant 64 : i32
      %scan3A_25 = arith.constant 0 : i32
      %scan3A_26 = arith.constant 0 : i32
      %scan3A_27 = arith.constant 64 : i32
      %scan3A_28 = arith.addi %scan3A_26, %scan3A_27 : i32
      %scan3A_29 = arith.constant 1 : i32
      scf.for %scan3A_63 = %scan3A_26 to %scan3A_28 step %scan3A_29  : i32 {
        %mul3A_64 = arith.constant 16 : i32
        %mul3A_65 = arith.muli %scan3A_63, %mul3A_64 : i32
        %get3A = arith.constant 2 : i32
        %get3A_66 = arith.index_cast %get3A : i32 to index
        %get3A_67 = arith.index_cast %mul3A_65 : i32 to index
        %get3A_68 = tpu.vector_load %arg5[%get3A_66, %get3A_67] {strides = array<i32>} : memref<8x1024xf32, #tpu.memory_space<vmem>>, vector<1x16xf32>,
        %get3A_69 = vector.shape_cast %get3A_68 : vector<1x16xf32> to vector<16xf32>
        %mul3A_70 = arith.constant 3.200000e+01 : f32
        %mul3A_71 = vector.broadcast %mul3A_70 : f32 to vector<16xf32>
        %mul3A_72 = arith.mulf %get3A_69, %mul3A_71 : vector<16xf32>
        %swap3A = arith.constant 2 : i32
        %swap3A_73 = arith.index_cast %swap3A : i32 to index
        %swap3A_74 = arith.index_cast %mul3A_65 : i32 to index
        %swap3A_75 = tpu.vector_load %arg5[%swap3A_73, %swap3A_74] {strides = array<i32>} : memref<8x1024xf32, #tpu.memory_space<vmem>>, vector<1x16xf32>,
        %swap3A_76 = vector.shape_cast %swap3A_75 : vector<1x16xf32> to vector<16xf32>
        %swap3A_77 = vector.shape_cast %mul3A_72 : vector<16xf32> to vector<1x16xf32>
        tpu.vector_store %arg5[%swap3A_73, %swap3A_74], %swap3A_77 {strides = array<i32>} : memref<8x1024xf32, #tpu.memory_space<vmem>>, vector<1x16xf32>,
      }
      %scan3A_30 = arith.constant 64 : i32
      %scan3A_31 = arith.constant 0 : i32
      %scan3A_32 = arith.constant 0 : i32
      %scan3A_33 = arith.constant 64 : i32
      %scan3A_34 = arith.addi %scan3A_32, %scan3A_33 : i32
      %scan3A_35 = arith.constant 1 : i32
      scf.for %scan3A_63 = %scan3A_32 to %scan3A_34 step %scan3A_35  : i32 {
        %mul3A_64 = arith.constant 16 : i32
        %mul3A_65 = arith.muli %scan3A_63, %mul3A_64 : i32
        %get3A = arith.constant 3 : i32
        %get3A_66 = arith.index_cast %get3A : i32 to index
        %get3A_67 = arith.index_cast %mul3A_65 : i32 to index
        %get3A_68 = tpu.vector_load %arg5[%get3A_66, %get3A_67] {strides = array<i32>} : memref<8x1024xf32, #tpu.memory_space<vmem>>, vector<1x16xf32>,
        %get3A_69 = vector.shape_cast %get3A_68 : vector<1x16xf32> to vector<16xf32>
        %mul3A_70 = arith.constant 3.200000e+01 : f32
        %mul3A_71 = vector.broadcast %mul3A_70 : f32 to vector<16xf32>
        %mul3A_72 = arith.mulf %get3A_69, %mul3A_71 : vector<16xf32>
        %swap3A = arith.constant 3 : i32
        %swap3A_73 = arith.index_cast %swap3A : i32 to index
        %swap3A_74 = arith.index_cast %mul3A_65 : i32 to index
        %swap3A_75 = tpu.vector_load %arg5[%swap3A_73, %swap3A_74] {strides = array<i32>} : memref<8x1024xf32, #tpu.memory_space<vmem>>, vector<1x16xf32>,
        %swap3A_76 = vector.shape_cast %swap3A_75 : vector<1x16xf32> to vector<16xf32>
        %swap3A_77 = vector.shape_cast %mul3A_72 : vector<16xf32> to vector<1x16xf32>
        tpu.vector_store %arg5[%swap3A_73, %swap3A_74], %swap3A_77 {strides = array<i32>} : memref<8x1024xf32, #tpu.memory_space<vmem>>, vector<1x16xf32>,
      }
      %scan3A_36 = arith.constant 64 : i32
      %scan3A_37 = arith.constant 0 : i32
      %scan3A_38 = arith.constant 0 : i32
      %scan3A_39 = arith.constant 64 : i32
      %scan3A_40 = arith.addi %scan3A_38, %scan3A_39 : i32
      %scan3A_41 = arith.constant 1 : i32
      scf.for %scan3A_63 = %scan3A_38 to %scan3A_40 step %scan3A_41  : i32 {
        %mul3A_64 = arith.constant 16 : i32
        %mul3A_65 = arith.muli %scan3A_63, %mul3A_64 : i32
        %get3A = arith.constant 4 : i32
        %get3A_66 = arith.index_cast %get3A : i32 to index
        %get3A_67 = arith.index_cast %mul3A_65 : i32 to index
        %get3A_68 = tpu.vector_load %arg5[%get3A_66, %get3A_67] {strides = array<i32>} : memref<8x1024xf32, #tpu.memory_space<vmem>>, vector<1x16xf32>,
        %get3A_69 = vector.shape_cast %get3A_68 : vector<1x16xf32> to vector<16xf32>
        %mul3A_70 = arith.constant 3.200000e+01 : f32
        %mul3A_71 = vector.broadcast %mul3A_70 : f32 to vector<16xf32>
        %mul3A_72 = arith.mulf %get3A_69, %mul3A_71 : vector<16xf32>
        %swap3A = arith.constant 4 : i32
        %swap3A_73 = arith.index_cast %swap3A : i32 to index
        %swap3A_74 = arith.index_cast %mul3A_65 : i32 to index
        %swap3A_75 = tpu.vector_load %arg5[%swap3A_73, %swap3A_74] {strides = array<i32>} : memref<8x1024xf32, #tpu.memory_space<vmem>>, vector<1x16xf32>,
        %swap3A_76 = vector.shape_cast %swap3A_75 : vector<1x16xf32> to vector<16xf32>
        %swap3A_77 = vector.shape_cast %mul3A_72 : vector<16xf32> to vector<1x16xf32>
        tpu.vector_store %arg5[%swap3A_73, %swap3A_74], %swap3A_77 {strides = array<i32>} : memref<8x1024xf32, #tpu.memory_space<vmem>>, vector<1x16xf32>,
      }
      %scan3A_42 = arith.constant 64 : i32
      %scan3A_43 = arith.constant 0 : i32
      %scan3A_44 = arith.constant 0 : i32
      %scan3A_45 = arith.constant 64 : i32
      %scan3A_46 = arith.addi %scan3A_44, %scan3A_45 : i32
      %scan3A_47 = arith.constant 1 : i32
      scf.for %scan3A_63 = %scan3A_44 to %scan3A_46 step %scan3A_47  : i32 {
        %mul3A_64 = arith.constant 16 : i32
        %mul3A_65 = arith.muli %scan3A_63, %mul3A_64 : i32
        %get3A = arith.constant 5 : i32
        %get3A_66 = arith.index_cast %get3A : i32 to index
        %get3A_67 = arith.index_cast %mul3A_65 : i32 to index
        %get3A_68 = tpu.vector_load %arg5[%get3A_66, %get3A_67] {strides = array<i32>} : memref<8x1024xf32, #tpu.memory_space<vmem>>, vector<1x16xf32>,
        %get3A_69 = vector.shape_cast %get3A_68 : vector<1x16xf32> to vector<16xf32>
        %mul3A_70 = arith.constant 3.200000e+01 : f32
        %mul3A_71 = vector.broadcast %mul3A_70 : f32 to vector<16xf32>
        %mul3A_72 = arith.mulf %get3A_69, %mul3A_71 : vector<16xf32>
        %swap3A = arith.constant 5 : i32
        %swap3A_73 = arith.index_cast %swap3A : i32 to index
        %swap3A_74 = arith.index_cast %mul3A_65 : i32 to index
        %swap3A_75 = tpu.vector_load %arg5[%swap3A_73, %swap3A_74] {strides = array<i32>} : memref<8x1024xf32, #tpu.memory_space<vmem>>, vector<1x16xf32>,
        %swap3A_76 = vector.shape_cast %swap3A_75 : vector<1x16xf32> to vector<16xf32>
        %swap3A_77 = vector.shape_cast %mul3A_72 : vector<16xf32> to vector<1x16xf32>
        tpu.vector_store %arg5[%swap3A_73, %swap3A_74], %swap3A_77 {strides = array<i32>} : memref<8x1024xf32, #tpu.memory_space<vmem>>, vector<1x16xf32>,
      }
      %scan3A_48 = arith.constant 64 : i32
      %scan3A_49 = arith.constant 0 : i32
      %scan3A_50 = arith.constant 0 : i32
      %scan3A_51 = arith.constant 64 : i32
      %scan3A_52 = arith.addi %scan3A_50, %scan3A_51 : i32
      %scan3A_53 = arith.constant 1 : i32
      scf.for %scan3A_63 = %scan3A_50 to %scan3A_52 step %scan3A_53  : i32 {
        %mul3A_64 = arith.constant 16 : i32
        %mul3A_65 = arith.muli %scan3A_63, %mul3A_64 : i32
        %get3A = arith.constant 6 : i32
        %get3A_66 = arith.index_cast %get3A : i32 to index
        %get3A_67 = arith.index_cast %mul3A_65 : i32 to index
        %get3A_68 = tpu.vector_load %arg5[%get3A_66, %get3A_67] {strides = array<i32>} : memref<8x1024xf32, #tpu.memory_space<vmem>>, vector<1x16xf32>,
        %get3A_69 = vector.shape_cast %get3A_68 : vector<1x16xf32> to vector<16xf32>
        %mul3A_70 = arith.constant 3.200000e+01 : f32
        %mul3A_71 = vector.broadcast %mul3A_70 : f32 to vector<16xf32>
        %mul3A_72 = arith.mulf %get3A_69, %mul3A_71 : vector<16xf32>
        %swap3A = arith.constant 6 : i32
        %swap3A_73 = arith.index_cast %swap3A : i32 to index
        %swap3A_74 = arith.index_cast %mul3A_65 : i32 to index
        %swap3A_75 = tpu.vector_load %arg5[%swap3A_73, %swap3A_74] {strides = array<i32>} : memref<8x1024xf32, #tpu.memory_space<vmem>>, vector<1x16xf32>,
        %swap3A_76 = vector.shape_cast %swap3A_75 : vector<1x16xf32> to vector<16xf32>
        %swap3A_77 = vector.shape_cast %mul3A_72 : vector<16xf32> to vector<1x16xf32>
        tpu.vector_store %arg5[%swap3A_73, %swap3A_74], %swap3A_77 {strides = array<i32>} : memref<8x1024xf32, #tpu.memory_space<vmem>>, vector<1x16xf32>,
      }
      %scan3A_54 = arith.constant 64 : i32
      %scan3A_55 = arith.constant 0 : i32
      %scan3A_56 = arith.constant 0 : i32
      %scan3A_57 = arith.constant 64 : i32
      %scan3A_58 = arith.addi %scan3A_56, %scan3A_57 : i32
      %scan3A_59 = arith.constant 1 : i32
      scf.for %scan3A_63 = %scan3A_56 to %scan3A_58 step %scan3A_59  : i32 {
        %mul3A_64 = arith.constant 16 : i32
        %mul3A_65 = arith.muli %scan3A_63, %mul3A_64 : i32
        %get3A = arith.constant 7 : i32
        %get3A_66 = arith.index_cast %get3A : i32 to index
        %get3A_67 = arith.index_cast %mul3A_65 : i32 to index
        %get3A_68 = tpu.vector_load %arg5[%get3A_66, %get3A_67] {strides = array<i32>} : memref<8x1024xf32, #tpu.memory_space<vmem>>, vector<1x16xf32>,
        %get3A_69 = vector.shape_cast %get3A_68 : vector<1x16xf32> to vector<16xf32>
        %mul3A_70 = arith.constant 3.200000e+01 : f32
        %mul3A_71 = vector.broadcast %mul3A_70 : f32 to vector<16xf32>
        %mul3A_72 = arith.mulf %get3A_69, %mul3A_71 : vector<16xf32>
        %swap3A = arith.constant 7 : i32
        %swap3A_73 = arith.index_cast %swap3A : i32 to index
        %swap3A_74 = arith.index_cast %mul3A_65 : i32 to index
        %swap3A_75 = tpu.vector_load %arg5[%swap3A_73, %swap3A_74] {strides = array<i32>} : memref<8x1024xf32, #tpu.memory_space<vmem>>, vector<1x16xf32>,
        %swap3A_76 = vector.shape_cast %swap3A_75 : vector<1x16xf32> to vector<16xf32>
        %swap3A_77 = vector.shape_cast %mul3A_72 : vector<16xf32> to vector<1x16xf32>
        tpu.vector_store %arg5[%swap3A_73, %swap3A_74], %swap3A_77 {strides = array<i32>} : memref<8x1024xf32, #tpu.memory_space<vmem>>, vector<1x16xf32>,
      }
      %scan3A_60 = arith.constant 64 : i32
      %mul3A_61 = arith.constant 8 : i32
      %mul3A_62 = arith.muli %arg1, %mul3A_61 : i32
      "tpu.region"() ({
        %run_scoped3A = tpu.sem_alloc : memref<!tpu.dma_semaphore, #tpu.memory_space<semaphore_mem>>
        %dma_start3A = arith.constant 0 : i32
        %dma_start3A_63 = tpu.memref_slice %arg4[%mul3A_62, %dma_start3A] : memref<64x1024xf32, #tpu.memory_space<vmem_shared>> -> memref<8x1024xf32, #tpu.memory_space<vmem_shared>>
        %dma_start3A_64 = arith.constant 0 : i32
        %dma_start3A_65 = tpu.memref_slice %arg4[%mul3A_62, %dma_start3A_64] : memref<64x1024xf32, #tpu.memory_space<vmem_shared>> -> memref<8x1024xf32, #tpu.memory_space<vmem_shared>>
        tpu.enqueue_dma source(%arg5 : memref<8x1024xf32, #tpu.memory_space<vmem>>) target(%dma_start3A_65 : memref<8x1024xf32, #tpu.memory_space<vmem_shared>>) target_semaphore(%run_scoped3A : memref<!tpu.dma_semaphore, #tpu.memory_space<semaphore_mem>>)
        %dma_wait3A = arith.constant 0 : i32
        %dma_wait3A_66 = tpu.memref_slice %arg4[%mul3A_62, %dma_wait3A] : memref<64x1024xf32, #tpu.memory_space<vmem_shared>> -> memref<8x1024xf32, #tpu.memory_space<vmem_shared>>
        %dma_wait3A_67 = arith.constant 0 : i32
        %dma_wait3A_68 = tpu.memref_slice %arg4[%mul3A_62, %dma_wait3A_67] : memref<64x1024xf32, #tpu.memory_space<vmem_shared>> -> memref<8x1024xf32, #tpu.memory_space<vmem_shared>>
        tpu.wait_dma2 semaphore(%run_scoped3A : memref<!tpu.dma_semaphore, #tpu.memory_space<semaphore_mem>>) src(%arg5 : memref<8x1024xf32, #tpu.memory_space<vmem>>) dst(%dma_wait3A_68 : memref<8x1024xf32, #tpu.memory_space<vmem_shared>>)
        tpu.yield
      }) : () -> ()
    } else {
    }
    %barrier3A = arith.constant 0 : index
    tpu.barrier barrier_id(%barrier3A)
    %eq3A = arith.constant 0 : i32
    %eq3A_2 = arith.cmpi eq, %arg0, %eq3A : i32
    %convert_element_type3A_3 = arith.extui %eq3A_2 : i1 to i32
    %cond3A_4 = arith.constant 0 : i32
    %cond3A_5 = arith.cmpi ne, %convert_element_type3A_3, %cond3A_4 : i32
    scf.if %cond3A_5 {
      %dma_start3A = arith.constant 0 : i32
      %dma_start3A_11 = arith.constant 0 : i32
      %dma_start3A_12 = arith.constant 0 : i32
      %dma_start3A_13 = tpu.memref_slice %arg3[%dma_start3A, %arg1, %dma_start3A_11, %dma_start3A_12] : memref<1x16x129x1024xf32, #tpu.memory_space<hbm>> -> memref<1x1x64x1024xf32, #tpu.memory_space<hbm>>
      %dma_start3A_14 = tpu.memref_squeeze %dma_start3A_13 : memref<1x1x64x1024xf32, #tpu.memory_space<hbm>> -> memref<64x1024xf32, #tpu.memory_space<hbm>>
      %dma_start3A_15 = arith.constant 0 : i32
      %dma_start3A_16 = arith.constant 0 : i32
      %dma_start3A_17 = tpu.memref_slice %arg4[%dma_start3A_15, %dma_start3A_16] : memref<64x1024xf32, #tpu.memory_space<vmem_shared>> -> memref<64x1024xf32, #tpu.memory_space<vmem_shared>>
      tpu.enqueue_dma source(%dma_start3A_17 : memref<64x1024xf32, #tpu.memory_space<vmem_shared>>) target(%dma_start3A_14 : memref<64x1024xf32, #tpu.memory_space<hbm>>) target_semaphore(%arg6 : memref<!tpu.dma_semaphore, #tpu.memory_space<semaphore_mem>>)
      %dma_wait3A = arith.constant 0 : i32
      %dma_wait3A_18 = arith.constant 0 : i32
      %dma_wait3A_19 = arith.constant 0 : i32
      %dma_wait3A_20 = tpu.memref_slice %arg3[%dma_wait3A, %arg1, %dma_wait3A_18, %dma_wait3A_19] : memref<1x16x129x1024xf32, #tpu.memory_space<hbm>> -> memref<1x1x64x1024xf32, #tpu.memory_space<hbm>>
      %dma_wait3A_21 = tpu.memref_squeeze %dma_wait3A_20 : memref<1x1x64x1024xf32, #tpu.memory_space<hbm>> -> memref<64x1024xf32, #tpu.memory_space<hbm>>
      %dma_wait3A_22 = arith.constant 0 : i32
      %dma_wait3A_23 = arith.constant 0 : i32
      %dma_wait3A_24 = tpu.memref_slice %arg4[%dma_wait3A_22, %dma_wait3A_23] : memref<64x1024xf32, #tpu.memory_space<vmem_shared>> -> memref<64x1024xf32, #tpu.memory_space<vmem_shared>>
      tpu.wait_dma2 semaphore(%arg6 : memref<!tpu.dma_semaphore, #tpu.memory_space<semaphore_mem>>) src(%dma_wait3A_24 : memref<64x1024xf32, #tpu.memory_space<vmem_shared>>) dst(%dma_wait3A_21 : memref<64x1024xf32, #tpu.memory_space<hbm>>)
    } else {
    }
    %eq3A_6 = arith.constant 1 : i32
    %eq3A_7 = arith.cmpi eq, %arg0, %eq3A_6 : i32
    %convert_element_type3A_8 = arith.extui %eq3A_7 : i1 to i32
    %cond3A_9 = arith.constant 0 : i32
    %cond3A_10 = arith.cmpi ne, %convert_element_type3A_8, %cond3A_9 : i32
    scf.if %cond3A_10 {
      %dma_start3A = arith.constant 0 : i32
      %dma_start3A_11 = arith.constant 64 : i32
      %dma_start3A_12 = arith.constant 0 : i32
      %dma_start3A_13 = tpu.memref_slice %arg3[%dma_start3A, %arg1, %dma_start3A_11, %dma_start3A_12] : memref<1x16x129x1024xf32, #tpu.memory_space<hbm>> -> memref<1x1x64x1024xf32, #tpu.memory_space<hbm>>
      %dma_start3A_14 = tpu.memref_squeeze %dma_start3A_13 : memref<1x1x64x1024xf32, #tpu.memory_space<hbm>> -> memref<64x1024xf32, #tpu.memory_space<hbm>>
      %dma_start3A_15 = arith.constant 0 : i32
      %dma_start3A_16 = arith.constant 0 : i32
      %dma_start3A_17 = tpu.memref_slice %arg4[%dma_start3A_15, %dma_start3A_16] : memref<64x1024xf32, #tpu.memory_space<vmem_shared>> -> memref<64x1024xf32, #tpu.memory_space<vmem_shared>>
      tpu.enqueue_dma source(%dma_start3A_17 : memref<64x1024xf32, #tpu.memory_space<vmem_shared>>) target(%dma_start3A_14 : memref<64x1024xf32, #tpu.memory_space<hbm>>) target_semaphore(%arg6 : memref<!tpu.dma_semaphore, #tpu.memory_space<semaphore_mem>>)
      "tpu.region"() ({
        %run_scoped3A_30 = tpu.sem_alloc : memref<!tpu.dma_semaphore, #tpu.memory_space<semaphore_mem>>
        %dma_start3A_31 = arith.constant 0 : i32
        %dma_start3A_32 = arith.constant 0 : i32
        %dma_start3A_33 = tpu.memref_slice %arg5[%dma_start3A_31, %dma_start3A_32] : memref<8x1024xf32, #tpu.memory_space<vmem>> -> memref<1x1024xf32, #tpu.memory_space<vmem>>
        %dma_start3A_34 = arith.constant 128 : i32
        %dma_start3A_35 = arith.constant 0 : i32
        %dma_start3A_36 = tpu.memref_slice %arg2[%dma_start3A_34, %dma_start3A_35] : memref<129x1024xf32, #tpu.memory_space<hbm>> -> memref<1x1024xf32, #tpu.memory_space<hbm>>
        %dma_start3A_37 = arith.constant 0 : i32
        %dma_start3A_38 = arith.constant 0 : i32
        %dma_start3A_39 = tpu.memref_slice %arg5[%dma_start3A_37, %dma_start3A_38] : memref<8x1024xf32, #tpu.memory_space<vmem>> -> memref<1x1024xf32, #tpu.memory_space<vmem>>
        %dma_start3A_40 = arith.constant 128 : i32
        %dma_start3A_41 = arith.constant 0 : i32
        %dma_start3A_42 = tpu.memref_slice %arg2[%dma_start3A_40, %dma_start3A_41] : memref<129x1024xf32, #tpu.memory_space<hbm>> -> memref<1x1024xf32, #tpu.memory_space<hbm>>
        tpu.enqueue_dma source(%dma_start3A_42 : memref<1x1024xf32, #tpu.memory_space<hbm>>) target(%dma_start3A_39 : memref<1x1024xf32, #tpu.memory_space<vmem>>) target_semaphore(%run_scoped3A_30 : memref<!tpu.dma_semaphore, #tpu.memory_space<semaphore_mem>>)
        %dma_wait3A_43 = arith.constant 0 : i32
        %dma_wait3A_44 = arith.constant 0 : i32
        %dma_wait3A_45 = tpu.memref_slice %arg5[%dma_wait3A_43, %dma_wait3A_44] : memref<8x1024xf32, #tpu.memory_space<vmem>> -> memref<1x1024xf32, #tpu.memory_space<vmem>>
        %dma_wait3A_46 = arith.constant 128 : i32
        %dma_wait3A_47 = arith.constant 0 : i32
        %dma_wait3A_48 = tpu.memref_slice %arg2[%dma_wait3A_46, %dma_wait3A_47] : memref<129x1024xf32, #tpu.memory_space<hbm>> -> memref<1x1024xf32, #tpu.memory_space<hbm>>
        %dma_wait3A_49 = arith.constant 0 : i32
        %dma_wait3A_50 = arith.constant 0 : i32
        %dma_wait3A_51 = tpu.memref_slice %arg5[%dma_wait3A_49, %dma_wait3A_50] : memref<8x1024xf32, #tpu.memory_space<vmem>> -> memref<1x1024xf32, #tpu.memory_space<vmem>>
        %dma_wait3A_52 = arith.constant 128 : i32
        %dma_wait3A_53 = arith.constant 0 : i32
        %dma_wait3A_54 = tpu.memref_slice %arg2[%dma_wait3A_52, %dma_wait3A_53] : memref<129x1024xf32, #tpu.memory_space<hbm>> -> memref<1x1024xf32, #tpu.memory_space<hbm>>
        tpu.wait_dma2 semaphore(%run_scoped3A_30 : memref<!tpu.dma_semaphore, #tpu.memory_space<semaphore_mem>>) src(%dma_wait3A_54 : memref<1x1024xf32, #tpu.memory_space<hbm>>) dst(%dma_wait3A_51 : memref<1x1024xf32, #tpu.memory_space<vmem>>)
        tpu.yield
      }) : () -> ()
      %scan3A = arith.constant 0 : i32
      %scan3A_18 = arith.constant 0 : i32
      %scan3A_19 = arith.constant 64 : i32
      %scan3A_20 = arith.addi %scan3A_18, %scan3A_19 : i32
      %scan3A_21 = arith.constant 1 : i32
      scf.for %scan3A_30 = %scan3A_18 to %scan3A_20 step %scan3A_21  : i32 {
        %mul3A = arith.constant 16 : i32
        %mul3A_31 = arith.muli %scan3A_30, %mul3A : i32
        %get3A = arith.constant 0 : i32
        %get3A_32 = arith.index_cast %get3A : i32 to index
        %get3A_33 = arith.index_cast %mul3A_31 : i32 to index
        %get3A_34 = tpu.vector_load %arg5[%get3A_32, %get3A_33] {strides = array<i32>} : memref<8x1024xf32, #tpu.memory_space<vmem>>, vector<1x16xf32>,
        %get3A_35 = vector.shape_cast %get3A_34 : vector<1x16xf32> to vector<16xf32>
        %mul3A_36 = arith.constant 3.200000e+01 : f32
        %mul3A_37 = vector.broadcast %mul3A_36 : f32 to vector<16xf32>
        %mul3A_38 = arith.mulf %get3A_35, %mul3A_37 : vector<16xf32>
        %swap3A = arith.constant 0 : i32
        %swap3A_39 = arith.index_cast %swap3A : i32 to index
        %swap3A_40 = arith.index_cast %mul3A_31 : i32 to index
        %swap3A_41 = tpu.vector_load %arg5[%swap3A_39, %swap3A_40] {strides = array<i32>} : memref<8x1024xf32, #tpu.memory_space<vmem>>, vector<1x16xf32>,
        %swap3A_42 = vector.shape_cast %swap3A_41 : vector<1x16xf32> to vector<16xf32>
        %swap3A_43 = vector.shape_cast %mul3A_38 : vector<16xf32> to vector<1x16xf32>
        tpu.vector_store %arg5[%swap3A_39, %swap3A_40], %swap3A_43 {strides = array<i32>} : memref<8x1024xf32, #tpu.memory_space<vmem>>, vector<1x16xf32>,
      }
      %scan3A_22 = arith.constant 64 : i32
      %run_scoped3A = arith.constant 0 : i32
      "tpu.region"() ({
        %run_scoped3A_30 = tpu.sem_alloc : memref<!tpu.dma_semaphore, #tpu.memory_space<semaphore_mem>>
        %dma_start3A_31 = arith.constant 0 : i32
        %dma_start3A_32 = arith.constant 0 : i32
        %dma_start3A_33 = tpu.memref_slice %arg5[%dma_start3A_31, %dma_start3A_32] : memref<8x1024xf32, #tpu.memory_space<vmem>> -> memref<1x1024xf32, #tpu.memory_space<vmem>>
        %dma_start3A_34 = arith.constant 128 : i32
        %dma_start3A_35 = arith.constant 0 : i32
        %dma_start3A_36 = tpu.memref_slice %arg3[%run_scoped3A, %arg1, %dma_start3A_34, %dma_start3A_35] : memref<1x16x129x1024xf32, #tpu.memory_space<hbm>> -> memref<1x1x1x1024xf32, #tpu.memory_space<hbm>>
        %dma_start3A_37 = tpu.memref_squeeze %dma_start3A_36 : memref<1x1x1x1024xf32, #tpu.memory_space<hbm>> -> memref<1x1024xf32, #tpu.memory_space<hbm>>
        %dma_start3A_38 = arith.constant 128 : i32
        %dma_start3A_39 = arith.constant 0 : i32
        %dma_start3A_40 = tpu.memref_slice %arg3[%run_scoped3A, %arg1, %dma_start3A_38, %dma_start3A_39] : memref<1x16x129x1024xf32, #tpu.memory_space<hbm>> -> memref<1x1x1x1024xf32, #tpu.memory_space<hbm>>
        %dma_start3A_41 = tpu.memref_squeeze %dma_start3A_40 : memref<1x1x1x1024xf32, #tpu.memory_space<hbm>> -> memref<1x1024xf32, #tpu.memory_space<hbm>>
        %dma_start3A_42 = arith.constant 0 : i32
        %dma_start3A_43 = arith.constant 0 : i32
        %dma_start3A_44 = tpu.memref_slice %arg5[%dma_start3A_42, %dma_start3A_43] : memref<8x1024xf32, #tpu.memory_space<vmem>> -> memref<1x1024xf32, #tpu.memory_space<vmem>>
        tpu.enqueue_dma source(%dma_start3A_44 : memref<1x1024xf32, #tpu.memory_space<vmem>>) target(%dma_start3A_41 : memref<1x1024xf32, #tpu.memory_space<hbm>>) target_semaphore(%run_scoped3A_30 : memref<!tpu.dma_semaphore, #tpu.memory_space<semaphore_mem>>)
        %dma_wait3A_45 = arith.constant 0 : i32
        %dma_wait3A_46 = arith.constant 0 : i32
        %dma_wait3A_47 = tpu.memref_slice %arg5[%dma_wait3A_45, %dma_wait3A_46] : memref<8x1024xf32, #tpu.memory_space<vmem>> -> memref<1x1024xf32, #tpu.memory_space<vmem>>
        %dma_wait3A_48 = arith.constant 128 : i32
        %dma_wait3A_49 = arith.constant 0 : i32
        %dma_wait3A_50 = tpu.memref_slice %arg3[%run_scoped3A, %arg1, %dma_wait3A_48, %dma_wait3A_49] : memref<1x16x129x1024xf32, #tpu.memory_space<hbm>> -> memref<1x1x1x1024xf32, #tpu.memory_space<hbm>>
        %dma_wait3A_51 = tpu.memref_squeeze %dma_wait3A_50 : memref<1x1x1x1024xf32, #tpu.memory_space<hbm>> -> memref<1x1024xf32, #tpu.memory_space<hbm>>
        %dma_wait3A_52 = arith.constant 128 : i32
        %dma_wait3A_53 = arith.constant 0 : i32
        %dma_wait3A_54 = tpu.memref_slice %arg3[%run_scoped3A, %arg1, %dma_wait3A_52, %dma_wait3A_53] : memref<1x16x129x1024xf32, #tpu.memory_space<hbm>> -> memref<1x1x1x1024xf32, #tpu.memory_space<hbm>>
        %dma_wait3A_55 = tpu.memref_squeeze %dma_wait3A_54 : memref<1x1x1x1024xf32, #tpu.memory_space<hbm>> -> memref<1x1024xf32, #tpu.memory_space<hbm>>
        %dma_wait3A_56 = arith.constant 0 : i32
        %dma_wait3A_57 = arith.constant 0 : i32
        %dma_wait3A_58 = tpu.memref_slice %arg5[%dma_wait3A_56, %dma_wait3A_57] : memref<8x1024xf32, #tpu.memory_space<vmem>> -> memref<1x1024xf32, #tpu.memory_space<vmem>>
        tpu.wait_dma2 semaphore(%run_scoped3A_30 : memref<!tpu.dma_semaphore, #tpu.memory_space<semaphore_mem>>) src(%dma_wait3A_58 : memref<1x1024xf32, #tpu.memory_space<vmem>>) dst(%dma_wait3A_55 : memref<1x1024xf32, #tpu.memory_space<hbm>>)
        tpu.yield
      }) : () -> ()
      %dma_wait3A = arith.constant 0 : i32
      %dma_wait3A_23 = arith.constant 64 : i32
      %dma_wait3A_24 = arith.constant 0 : i32
      %dma_wait3A_25 = tpu.memref_slice %arg3[%dma_wait3A, %arg1, %dma_wait3A_23, %dma_wait3A_24] : memref<1x16x129x1024xf32, #tpu.memory_space<hbm>> -> memref<1x1x64x1024xf32, #tpu.memory_space<hbm>>
      %dma_wait3A_26 = tpu.memref_squeeze %dma_wait3A_25 : memref<1x1x64x1024xf32, #tpu.memory_space<hbm>> -> memref<64x1024xf32, #tpu.memory_space<hbm>>
      %dma_wait3A_27 = arith.constant 0 : i32
      %dma_wait3A_28 = arith.constant 0 : i32
      %dma_wait3A_29 = tpu.memref_slice %arg4[%dma_wait3A_27, %dma_wait3A_28] : memref<64x1024xf32, #tpu.memory_space<vmem_shared>> -> memref<64x1024xf32, #tpu.memory_space<vmem_shared>>
      tpu.wait_dma2 semaphore(%arg6 : memref<!tpu.dma_semaphore, #tpu.memory_space<semaphore_mem>>) src(%dma_wait3A_29 : memref<64x1024xf32, #tpu.memory_space<vmem_shared>>) dst(%dma_wait3A_26 : memref<64x1024xf32, #tpu.memory_space<hbm>>)
    } else {
    }
    return
  }
}

module attributes {stable_mosaic.version = 14 : i64} {
  func.func @_tc_body(%arg0: i32, %arg1: memref<129x1024xf32, #tpu.memory_space<vmem>>, %arg2: memref<129x1024xf32, #tpu.memory_space<vmem>>, %arg3: memref<1x4x129x1024xf32, #tpu.memory_space<vmem>>, %arg4: memref<1x4x129x1024xf32, #tpu.memory_space<vmem>>) attributes {dimension_semantics = [#tpu.dimension_semantics<parallel>], iteration_bounds = array<i64: 4>, scalar_prefetch = 0 : i64, scratch_operands = 0 : i64, tpu.core_type = #tpu.core_type<tc>, window_params = [{pipeline_mode = #tpu.pipeline_mode<synchronous>, transform_indices = @transform_0, window_bounds = array<i64: 129, 1024>}, {pipeline_mode = #tpu.pipeline_mode<synchronous>, transform_indices = @transform_1, window_bounds = array<i64: 129, 1024>}, {transform_indices = @transform_2, window_bounds = array<i64: 1, 4, 129, 1024>}, {transform_indices = @transform_3, window_bounds = array<i64: 1, 4, 129, 1024>}]} {
    %get3A = arith.constant 0 : index
    %get3A_0 = arith.constant 0 : index
    %get3A_1 = vector.load %arg1[%get3A, %get3A_0] : memref<129x1024xf32, #tpu.memory_space<vmem>>, vector<129x1024xf32>
    %mul3A = arith.constant 3.200000e+01 : f32
    %mul3A_2 = vector.broadcast %mul3A : f32 to vector<129x1024xf32>
    %mul3A_3 = arith.mulf %get3A_1, %mul3A_2 : vector<129x1024xf32>
    %broadcast_in_dim3A = vector.shape_cast %mul3A_3 : vector<129x1024xf32> to vector<1x129x1024xf32>
    %broadcast_in_dim3A_4 = vector.shape_cast %broadcast_in_dim3A : vector<1x129x1024xf32> to vector<1x129x1024xf32>
    %broadcast_in_dim3A_5 = vector.broadcast %broadcast_in_dim3A_4 : vector<1x129x1024xf32> to vector<4x129x1024xf32>
    %swap3A = arith.constant 0 : index
    %swap3A_6 = arith.constant 0 : index
    %swap3A_7 = arith.constant 0 : index
    %swap3A_8 = arith.constant 0 : index
    %swap3A_9 = vector.load %arg3[%swap3A, %swap3A_6, %swap3A_7, %swap3A_8] : memref<1x4x129x1024xf32, #tpu.memory_space<vmem>>, vector<1x4x129x1024xf32>
    %swap3A_10 = vector.shape_cast %swap3A_9 : vector<1x4x129x1024xf32> to vector<4x129x1024xf32>
    %swap3A_11 = vector.shape_cast %broadcast_in_dim3A_5 : vector<4x129x1024xf32> to vector<1x4x129x1024xf32>
    tpu.vector_store %arg3[%swap3A, %swap3A_6, %swap3A_7, %swap3A_8], %swap3A_11 {strides = array<i32>} : memref<1x4x129x1024xf32, #tpu.memory_space<vmem>>, vector<1x4x129x1024xf32>,
    %get3A_12 = arith.constant 0 : index
    %get3A_13 = arith.constant 0 : index
    %get3A_14 = vector.load %arg2[%get3A_12, %get3A_13] : memref<129x1024xf32, #tpu.memory_space<vmem>>, vector<129x1024xf32>
    %mul3A_15 = arith.constant 3.200000e+01 : f32
    %mul3A_16 = vector.broadcast %mul3A_15 : f32 to vector<129x1024xf32>
    %mul3A_17 = arith.mulf %get3A_14, %mul3A_16 : vector<129x1024xf32>
    %broadcast_in_dim3A_18 = vector.shape_cast %mul3A_17 : vector<129x1024xf32> to vector<1x129x1024xf32>
    %broadcast_in_dim3A_19 = vector.shape_cast %broadcast_in_dim3A_18 : vector<1x129x1024xf32> to vector<1x129x1024xf32>
    %broadcast_in_dim3A_20 = vector.broadcast %broadcast_in_dim3A_19 : vector<1x129x1024xf32> to vector<4x129x1024xf32>
    %swap3A_21 = arith.constant 0 : index
    %swap3A_22 = arith.constant 0 : index
    %swap3A_23 = arith.constant 0 : index
    %swap3A_24 = arith.constant 0 : index
    %swap3A_25 = vector.load %arg4[%swap3A_21, %swap3A_22, %swap3A_23, %swap3A_24] : memref<1x4x129x1024xf32, #tpu.memory_space<vmem>>, vector<1x4x129x1024xf32>
    %swap3A_26 = vector.shape_cast %swap3A_25 : vector<1x4x129x1024xf32> to vector<4x129x1024xf32>
    %swap3A_27 = vector.shape_cast %broadcast_in_dim3A_20 : vector<4x129x1024xf32> to vector<1x4x129x1024xf32>
    tpu.vector_store %arg4[%swap3A_21, %swap3A_22, %swap3A_23, %swap3A_24], %swap3A_27 {strides = array<i32>} : memref<1x4x129x1024xf32, #tpu.memory_space<vmem>>, vector<1x4x129x1024xf32>,
    return
  }
  func.func @transform_0(%arg0: i32) -> (i32, i32) {
    %c0_i32 = arith.constant 0 : i32
    %c0_i32_0 = arith.constant 0 : i32
    %c0_i32_1 = arith.constant 0 : i32
    return %c0_i32, %c0_i32_0 : i32, i32
  }
  func.func @transform_1(%arg0: i32) -> (i32, i32) {
    %c0_i32 = arith.constant 0 : i32
    %c0_i32_0 = arith.constant 0 : i32
    %c0_i32_1 = arith.constant 0 : i32
    return %c0_i32, %c0_i32_0 : i32, i32
  }
  func.func @transform_2(%arg0: i32) -> (i32, i32, i32, i32) {
    %c0_i32 = arith.constant 0 : i32
    %c0_i32_0 = arith.constant 0 : i32
    %c0_i32_1 = arith.constant 0 : i32
    %c0_i32_2 = arith.constant 0 : i32
    return %c0_i32, %arg0, %c0_i32_0, %c0_i32_1 : i32, i32, i32, i32
  }
  func.func @transform_3(%arg0: i32) -> (i32, i32, i32, i32) {
    %c0_i32 = arith.constant 0 : i32
    %c0_i32_0 = arith.constant 0 : i32
    %c0_i32_1 = arith.constant 0 : i32
    %c0_i32_2 = arith.constant 0 : i32
    return %c0_i32, %arg0, %c0_i32_0, %c0_i32_1 : i32, i32, i32, i32
  }
}

</mosaic_0001>

<sc_bundles>
// kernel: kernel.4.cloned.1.call-start
scs
__scs_entry_jumppad:
0x0: {  	(pc) =	sbr.rel $0x88, $3  }
0x1: {  	(tag) =	ssettag $0x0;
	lr =	simm.s32 $0x1  }
0x2: {  	[smem:$0x3F9E] =	sst lr;
	_ =	strace $0xD0000000  }
0x3: {  	_ = 	snop  }
0x4: {  	_ = 	snop  }
0x5: {  	_ = 	snop  }
0x6: {  	_ = 	snop  }
0x7: {  	_ = 	snop  }
__scs_overlays_trampoline_lowered:
0x8: {  	[smem:$0x3FAD] =	sst s0  }
0x9: {  	[smem:$0x3FAE] =	sst s1  }
0xa: {  	[smem:$0x3FAF] =	sst s2  }
0xb: {  	[smem:$0x3FB0] =	sst s3  }
0xc: {  	[smem:$0x3FB1] =	sst s4  }
0xd: {  	[smem:$0x3FB2] =	sst s5  }
0xe: {  	[smem:$0x3FB3] =	sst s6  }
0xf: {  	[smem:$0x3FB4] =	sst s7  }
0x10: {  	[smem:$0x3FB5] =	sst s8  }
0x11: {  	[smem:$0x3FB6] =	sst s9;
	s0 =	simm.s32 @!p0 $0x0  }
0x12: {  	s1 =	sld [smem:$0x3F9C];
	s0 =	simm.s32 @p0 $0x1  }
0x13: {  	[smem:$0x3FB7] =	sst s0;
	s0 =	simm.s32 @!p1 $0x0  }
0x14: {  	s2 =	sld [smem:$0x3F9B];
	s0 =	simm.s32 @p1 $0x1  }
0x15: {  	[smem:$0x3FB8] =	sst s0;
	s0 =	simm.s32 @!p2 $0x0  }
0x16: {  	s3 =	sld [smem:$0x3FDB];
	s0 =	simm.s32 @p2 $0x1  }
0x17: {  	s4 =	simm.s32 $0x1BF5;
	[smem:$0x3FBA] =	sst s0  }
0x18: {  	s0 =	sld [smem:$0x3F9D];
	_ =	swait.ge [sflag:s4], $0x0  }
0x19: {  	s7 =	sld [smem:$0x3F9E]  }
0x1a: {  	s8 =	sadd.s32 $0xFFFFE003, lr  }
0x1b: {  	s9 =	sadd.s32 $0xFFFFFEF7, lr;
	s5 =	simm.s32 $0xFFFFFFFF;
	p2 =	slt.u32 s8, $0xFFFFF086  }
0x1c: {  	p1 =	slt.u32 s9, $0xF7A;
	s5 =	simm.s32 @!p2 $0x0  }
0x1d: {  	s5 =	simm.s32 @p1 $0x1;
	p0 =	seq.s32 s7, s2  }
0x1e: {  	s7 =	smul.u32 @!p0 $0xF7A, s2;
	p2 =	seq.s32 @!p0 s5, $0x0  }
0x1f: {  	s9 =	smul.u32 $0xF7A, s1;
	s8 =	simm.s32 @!p0 $0x1BF5;
	p2 =	por !p2, p0  }
0x20: {  	[sflag:s8] =	ssyncset.s32 @!p0 $0xFFFFF086;
	s6 =	sadd.s32 @!p0 s3, s7;
	s7 =	simm.s32 @!p0 $0x108  }
0x21: {  	s3 =	sadd.s32 s3, s9;
	s6 =	sadd.s32 @!p0 $0x88, s6;
	s7 =	simm.s32 @p2 $0x1082  }
0x22: {  	[simem:s7], [sflag:s8] =	dma.local @!p0 [hbm:s6], $0xF7A  }
0x23: {  	s9 =	sor.u32 $0xD0000000, s2;
	s6 =	simm.s32 $0x108;
	_ =	swait.ge @!p0 [sflag:s8], $0x0  }
0x24: {  	s3 =	sadd.s32 $0x88, s3;
	s6 =	simm.s32 @!p1 $0x1082;
	[sflag:s4] =	ssyncset.s32 $0xFFFFF086  }
0x25: {  	[simem:s6], [sflag:s4] =	dma.local [hbm:s3], $0xF7A  }
0x26: {  	[smem:$0x3F9E] =	sst s1;
	(tag) =	ssettag s2;
	_ =	strace s9  }
0x27: {  	s1 =	sld [smem:$0x3FAE]  }
0x28: {  	s2 =	sld [smem:$0x3FAF]  }
0x29: {  	s4 =	sld [smem:$0x3FB1]  }
0x2a: {  	p0 =	seq.s32 s5, $0x0;
	s5 =	sld [smem:$0x3FB2]  }
0x2b: {  	s6 =	sld [smem:$0x3FB3]  }
0x2c: {  	s7 =	sld [smem:$0x3FB4]  }
0x2d: {  	s3 =	simm.s32 $0x108;
	s8 =	sld [smem:$0x3FB5]  }
0x2e: {  	s3 =	simm.s32 @!p0 $0x1082;
	s9 =	sld [smem:$0x3FB6]  }
0x2f: {  	lr =	sadd.s32 s0, s3;
	s0 =	sld [smem:$0x3FAD]  }
0x30: {  	s3 =	sld [smem:$0x3FB0]  }
0x31: {  	[smem:$0x3FB9] =	sst s10  }
0x32: {  	s10 =	sld [smem:$0x3FB7];
	_ =	sdelay $0x3  }
0x33: {  	p0 =	seq.s32 s10, $0x1;
	s10 =	sld [smem:$0x3FB9];
	_ =	sdelay $0x3  }
0x34: {  	[smem:$0x3FB9] =	sst s10  }
0x35: {  	s10 =	sld [smem:$0x3FB8];
	_ =	sdelay $0x3  }
0x36: {  	p1 =	seq.s32 s10, $0x1;
	s10 =	sld [smem:$0x3FB9];
	_ =	sdelay $0x3  }
0x37: {  	[smem:$0x3FB9] =	sst s10  }
0x38: {  	s10 =	sld [smem:$0x3FBA]  }
0x39: {  	_ = 	snop;
	(pc) =	sbr.ind lr, $3  }
0x3a: {  	_ = 	snop  }
0x3b: {  	_ = 	snop  }
0x3c: {  	p2 =	seq.s32 s10, $0x1;
	s10 =	sld [smem:$0x3FB9]  }
0x3d: {  	_ =	shalt  }
0x3e: {  	_ =	shalt  }
0x3f: {  	_ =	shalt  }
0x40: {  	_ =	shalt  }
0x41: {  	_ =	shalt  }
0x42: {  	_ =	shalt  }
0x43: {  	_ =	shalt  }
0x44: {  	_ =	shalt  }
0x45: {  	_ =	shalt  }
0x46: {  	_ =	shalt  }
0x47: {  	_ =	shalt  }
0x48: {  	_ =	shalt  }
0x49: {  	_ =	shalt  }
0x4a: {  	_ =	shalt  }
0x4b: {  	_ =	shalt  }
0x4c: {  	_ =	shalt  }
0x4d: {  	_ =	shalt  }
0x4e: {  	_ =	shalt  }
0x4f: {  	_ =	shalt  }
0x50: {  	_ =	shalt  }
0x51: {  	_ =	shalt  }
0x52: {  	_ =	shalt  }
0x53: {  	_ =	shalt  }
0x54: {  	_ =	shalt  }
0x55: {  	_ =	shalt  }
0x56: {  	_ =	shalt  }
0x57: {  	_ =	shalt  }
0x58: {  	_ =	shalt  }
0x59: {  	_ =	shalt  }
0x5a: {  	_ =	shalt  }
0x5b: {  	_ =	shalt  }
0x5c: {  	_ =	shalt  }
0x5d: {  	_ =	shalt  }
0x5e: {  	_ =	shalt  }
0x5f: {  	_ =	shalt  }
0x60: {  	_ =	shalt  }
0x61: {  	_ =	shalt  }
0x62: {  	_ =	shalt  }
0x63: {  	_ =	shalt  }
0x64: {  	_ =	shalt  }
0x65: {  	_ =	shalt  }
0x66: {  	_ =	shalt  }
0x67: {  	_ =	shalt  }
0x68: {  	_ =	shalt  }
0x69: {  	_ =	shalt  }
0x6a: {  	_ =	shalt  }
0x6b: {  	_ =	shalt  }
0x6c: {  	_ =	shalt  }
0x6d: {  	_ =	shalt  }
0x6e: {  	_ =	shalt  }
0x6f: {  	_ =	shalt  }
0x70: {  	_ =	shalt  }
0x71: {  	_ =	shalt  }
0x72: {  	_ =	shalt  }
0x73: {  	_ =	shalt  }
0x74: {  	_ =	shalt  }
0x75: {  	_ =	shalt  }
0x76: {  	_ =	shalt  }
0x77: {  	_ =	shalt  }
0x78: {  	_ =	shalt  }
0x79: {  	_ =	shalt  }
0x7a: {  	_ =	shalt  }
0x7b: {  	_ =	shalt  }
0x7c: {  	_ =	shalt  }
0x7d: {  	_ =	shalt  }
0x7e: {  	_ =	shalt  }
0x7f: {  	_ =	shalt  }
0x80: {  	_ =	shalt  }
0x81: {  	_ =	shalt  }
0x82: {  	_ =	shalt  }
0x83: {  	_ =	shalt  }
0x84: {  	_ =	shalt  }
0x85: {  	_ =	shalt  }
0x86: {  	_ =	shalt  }
0x87: {  	_ =	shalt  }
.Lfunc_end0:
.L_simem_size_0:
called_computation_lowered:
.L_overlay_start_0:
0x88: {  	s2 =	sld [smem:$0x3FD9]  }
0x89: {  	s3 =	sld [smem:$0x3FFE];
	_ =	sdelay $0x1  }
0x8a: {  	s1 =	srdreg.scid  }
0x8b: {  	s0 =	sand.u32 $0x1, s1  }
0x8c: {  	s17 =	sshll.u32 s0, $0xA;
	s2 =	sadd.s32 s3, s2  }
0x8d: {  	s2 =	sadd.s32 s2, s17  }
0x8e: {  	[smem:$0x3FC5] =	sst s2  }
0x8f: {  	_ = 	snop  }
0x90: {  	s2 =	sld [smem:$0x3FC7];
	(tm) =	ssettm $0x1  }
0x91: {  	s18 =	sld [smem:$0x3FFB];
	_ =	sdelay $0x3  }
0x92: {  	_ =	strace s18  }
0x93: {  	s3 =	sld [smem:$0x3FFC];
	_ =	sdelay $0x3  }
0x94: {  	_ =	strace s3  }
0x95: {  	s3 =	sld [smem:$0x3FFD];
	_ =	sdelay $0x3  }
0x96: {  	_ =	strace s3  }
0x97: {  	_ =	strace $0x8FFFFFFF  }
0x98: {  	s19 =	sld [smem:$0x3FDB];
	_ =	sdelay $0x1  }
0x99: {  	s4 =	simm.s32 $_scs_section_size  }
0x9a: {  	s5 =	simm.s32 $_size__tile_overlayer_lowered;
	s6 =	simm.s32 $_tile_overlayer_lowered  }
0x9b: {  	s22 =	simm.s32 $0x1BFF;
	s21 =	sshll.u32 s6, $0x1;
	s3 =	sadd.s32 s4, s19  }
0x9c: {  	s7 =	simm.s32 $0x0;
	s20 =	sshll.u32 s5, $0x1;
	s5 =	sadd.s32 s21, s3  }
0x9d: {  	[timem:s7], [sflag:s22] =	dma.local [hbm:s5], s20  }
0x9e: {  	_ =	swait.ge [sflag:s22], s20  }
0x9f: {  	s4 =	ssub.s32 $0x0, s20;
	[sflag:s22] =	ssyncset.done $0x0  }
0xa0: {  	[sflag:s22] =	ssyncadd.s32 s4;
	_ =	sdelay $0x1  }
0xa1: {  	s23 =	simm.s32 $0x1B8B  }
0xa2: {  	_ =	swait.ge [sflag:s23], $0x1  }
0xa3: {  	[sflag:s23] =	ssyncset.done $0x0  }
0xa4: {  	s25 =	simm.s32 $0x1B8E;
	s24 =	sld [smem:$0x3FFE];
	[sflag:s23] =	ssyncadd.s32 $0xFFFFFFFF  }
0xa5: {  	s26 =	simm.s32 $execute0_lowered;
	[smem:$0x3FD2] =	sst s25  }
0xa6: {  	s5 =	sshll.u32 s26, $0x1;
	_ =	strace $0x80000046;
	[dreg:$0x1] =	wrdreg $0xFFFFFFFF  }
0xa7: {  	s28 =	simm.s32 $_size_execute0_lowered;
	s3 =	sadd.s32 s3, s5;
	[dreg:$0x0] =	wrdreg $0x0  }
0xa8: {  	s5 =	sshll.u32 s28, $0x1;
	[dreg:$0x2] =	wrdreg s3  }
0xa9: {  	[dreg:$0x3] =	wrdreg s5  }
0xaa: {  	[dreg:$0x4] =	wrdreg $0xC0  }
0xab: {  	_ =	task [dreg:s7], $0x5FFFF  }
0xac: {  	[dreg:$0x1] =	wrdreg $0xFFFFFFFF  }
0xad: {  	[dreg:$0x0] =	wrdreg $0x60  }
0xae: {  	[dreg:$0x2] =	wrdreg s2  }
0xaf: {  	[dreg:$0x3] =	wrdreg s24  }
0xb0: {  	[dreg:$0x4] =	wrdreg $0x0  }
0xb1: {  	[dreg:$0x5] =	wrdreg $0x9  }
0xb2: {  	_ =	task.clear_ibuf [dreg:s7], $0x6FFFF;
	_ =	strace $0x90000046  }
0xb3: {  	s29 =	simm.s32 $0x9;
	_ =	strace $0x80000048  }
0xb4: {  	_ =	swait.ge [sflag:s29], $0x1  }
0xb5: {  	[sflag:s29] =	ssyncadd.s32 $0xFFFFFFFF  }
0xb6: {  	_ =	strace $0x90000048  }
0xb7: {  	_ =	sfence  }
0xb8: {  	s30 =	sld [smem:$0x0];
	_ =	sdelay $0x2  }
0xb9: {  	s31 =	sshll.u32 s1, $0xD;
	s1 =	sshrl.u32 s1, $0x2  }
0xba: {  	s3 =	sand.u32 $0x4000, s31;
	s1 =	sadd.s32 s1, s30  }
0xbb: {  	s0 =	sor.u32 s3, s0;
	s1 =	sshll.u32 s1, $0x11  }
0xbc: {  	s0 =	sor.u32 s1, s0  }
0xbd: {  	s0 =	sadd.s32 $0x8F2B, s0  }
0xbe: {  	[sflag:s0] =	ssyncadd.remote.s32 $0x1  }
0xbf: {  	_ =	sfence.sel $0xFFFF  }
0xc0: {  	[dreg:$0x0] =	wrdreg $0xFFFFFFFF;
	(pc) =	sbr.abs _section_cstart, $3  }
0xc1: {  	[dreg:$0x1] =	wrdreg $0xFFFFFFFF  }
0xc2: {  	_ =	task.clear_ibuf [dreg:s7], $0x2FFFF;
	_ =	strace $0x9FFFFFFF  }
0xc3: {  	(tm) =	ssettm $0x7FFFFFFF  }
tec
execute0_lowered:
.L_overlay_start_1:
0x0: {  	(tag) =	ssettag $0x1  }
0x1: {  	s8 =	rddreg [dreg:$0x0]  }
0x2: {  	s3 =	rddreg [dreg:$0x1]  }
0x3: {  	s1 =	rddreg [dreg:$0x2]  }
0x4: {  	s0 =	rddreg [dreg:$0x3]  }
0x5: {  	s2 =	simm.s32 $0x0;
	s4 =	srdreg.scid;
	s13 =	simm.s32 $0x1400  }
0x6: {  	s14 =	simm.s32 $0x1800;
	s15 =	simm.s32 $0x1C00;
	s16 =	simm.s32 $0x2000  }
0x7: {  	s17 =	simm.s32 $0x2400;
	s18 =	simm.s32 $0x2800;
	s19 =	simm.s32 $0x2C00  }
0x8: {  	s20 =	simm.s32 $0x1;
	s21 =	simm.s32 $0x0;
	[smem:$0x7FF] =	sst s2  }
0x9: {  	s6 =	sand.u32 $0x1, s4;
	s7 =	sadd.s32 $0xA00, s3;
	s3 =	stileid.u32  }
0xa: {  	_ =	strace $0x80000047;
	s4 =	ssub.s32 $0x2, s6;
	s9 =	sshll.u32 s3, $0xA  }
0xb: {  	s10 =	smul.u32 $0x22000, s3;
	s28 =	sshll.u32 s6, $0xD;
	s30 =	sshll.u32 s3, $0xD  }
0xc: {  	s12 =	smul.u32 $0x4400, s3;
	p0 =	seq.s32 s6, $0x1;
	p1 =	sgt.u32 s3, $0x7  }
.Ltmp0:
0xd: {  	s5 =	sshrl.u32 s4, $0x1;
	s29 =	sadd.s32 s8, s9;
	(pc) =	sbr.rel .LBB2_1-.Ltmp0, $4  }
0xe: {  	s8 =	sadd.s32 $0x4000, s8;
	s11 =	ssub.s32 s4, s5;
	s10 =	sshrl.u32 s10, $0x3  }
0xf: {  	s4 =	sadd.s32 s28, s29;
	s5 =	sadd.s32 s30, s1;
	s6 =	sadd.s32 s7, s12  }
0x10: {  	s12 =	simm.s32 $0x2;
	s31 =	sadd.s32 s7, s10;
	s10 =	smax.u32 s11, $0x1  }
0x11: {  	s11 =	simm.s32 $0x1000;
	s7 =	sadd.s32 $0x2000, s31;
	s9 =	sadd.s32 $0x4000, s31  }
.LBB2_20:
0x12: {  	[hbm:s6], [sflag:s23] =	dma.local [spmem:s22], $0x2000  }
.LBB2_24:
0x13: {  	s21 =	sadd.s32 $0x1, s21  }
0x14: {  	p2 =	sne.s32 s21, s10  }
.Ltmp1:
0x15: {  	_ = 	snop;
	(pc) =	sbr.rel @!p2 .LBB2_25-.Ltmp1, $4  }
0x16: {  	_ = 	snop  }
0x17: {  	_ =	swait.ge [sflag:s20], $0x2000  }
0x18: {  	[sflag:s20] =	ssyncset.done $0x0  }
0x19: {  	[sflag:s20] =	ssyncadd.s32 $0xFFFFE000  }
.LBB2_1:
.Ltmp2:
0x1a: {  	(pc) =	sbr.rel @p1 .LBB2_19-.Ltmp2, $1  }
0x1b: {  	_ =	sdelay $0x3  }
0x1c: {  	s23 =	simm.s32 $0x0  }
0x1d: {  	[tilespmem:s11], [sflag:$0x2] =	stream.linear.gather [hbm4b:s4+s23], $0x2000, $0x38;
	[tilespmem:$0x3000] =	vst v63  }
0x1e: {  	_ =	swait.ge [sflag:s12], $0x2000  }
0x1f: {  	s22 =	sand.u32 $0x70, s23;
	s23 =	sand.u32 $0x1C00, s23;
	[sflag:s12] =	ssyncset.done $0x0  }
0x20: {  	s25 =	sor.u32 s22, s23;
	[sflag:s12] =	ssyncadd.s32 $0xFFFFE000  }
0x21: {  	v0 =	vld [tilespmem:s25+$0x1000];
	_ =	sdelay $0x4  }
0x22: {  	s24 =	simm.s32 $0x10;
	s26 =	simm.s32 $0x80;
	v0 =	vmul.f32 $3.200000000e+01, v0  }
0x23: {  	s28 =	simm.s32 $0x20;
	s29 =	sand.u32 $0x70, s24;
	s30 =	sand.u32 $0x1C00, s26  }
.LBB2_3:
0x24: {  	p2 =	sne.s32 s28, $0x3F0;
	[tilespmem:s25+$0x1000] =	vst v0;
	s25 =	sor.u32 s29, s30  }
0x25: {  	v0 =	vld [tilespmem:s25+$0x1000];
	_ =	sdelay $0x1  }
.Ltmp3:
0x26: {  	(pc) =	sbr.rel @p2 .LBB2_3-.Ltmp3, $3  }
0x27: {  	_ =	sdelay $0x1  }
0x28: {  	s26 =	sadd.s32 $0x80, s26;
	v0 =	vmul.f32 $3.200000000e+01, v0  }
0x29: {  	s29 =	sand.u32 $0x70, s28;
	s28 =	sadd.s32 $0x10, s28;
	s30 =	sand.u32 $0x1C00, s26  }
0x2a: {  	s26 =	sor.u32 s29, s30;
	[tilespmem:s25+$0x1000] =	vst v0  }
0x2b: {  	v0 =	vld [tilespmem:s26+$0x1000];
	_ =	sdelay $0x4  }
0x2c: {  	v0 =	vmul.f32 $3.200000000e+01, v0;
	_ =	sdelay $0x1  }
0x2d: {  	s22 =	sor.u32 s22, s23;
	[tilespmem:s26+$0x1000] =	vst v0  }
0x2e: {  	v0 =	vld [tilespmem:s22+$0x1080];
	_ =	sdelay $0x4  }
0x2f: {  	s23 =	simm.s32 $0x80;
	v0 =	vmul.f32 $3.200000000e+01, v0  }
0x30: {  	s25 =	sand.u32 $0x70, s24;
	s24 =	simm.s32 $0x20;
	s26 =	sand.u32 $0x1C00, s23  }
.LBB2_5:
0x31: {  	p2 =	sne.s32 s24, $0x3F0;
	[tilespmem:s22+$0x1080] =	vst v0;
	s22 =	sor.u32 s25, s26  }
0x32: {  	v0 =	vld [tilespmem:s22+$0x1080];
	_ =	sdelay $0x1  }
.Ltmp4:
0x33: {  	(pc) =	sbr.rel @p2 .LBB2_5-.Ltmp4, $3  }
0x34: {  	_ =	sdelay $0x1  }
0x35: {  	s23 =	sadd.s32 $0x80, s23;
	v0 =	vmul.f32 $3.200000000e+01, v0  }
0x36: {  	s25 =	sand.u32 $0x70, s24;
	s24 =	sadd.s32 $0x10, s24;
	s26 =	sand.u32 $0x1C00, s23  }
0x37: {  	s24 =	sor.u32 s25, s26;
	[tilespmem:s22+$0x1080] =	vst v0  }
0x38: {  	v0 =	vld [tilespmem:s24+$0x1080];
	_ =	sdelay $0x4  }
0x39: {  	s23 =	simm.s32 $0x0;
	v0 =	vmul.f32 $3.200000000e+01, v0  }
0x3a: {  	s22 =	sand.u32 $0x70, s23;
	s23 =	sand.u32 $0x1C00, s23  }
0x3b: {  	s25 =	sor.u32 s22, s23;
	[tilespmem:s24+$0x1080] =	vst v0  }
0x3c: {  	v0 =	vld [tilespmem:s25+$0x1100];
	_ =	sdelay $0x4  }
0x3d: {  	s26 =	simm.s32 $0x80;
	s24 =	simm.s32 $0x10;
	v0 =	vmul.f32 $3.200000000e+01, v0  }
0x3e: {  	s28 =	simm.s32 $0x20;
	s30 =	sand.u32 $0x1C00, s26;
	s29 =	sand.u32 $0x70, s24  }
.LBB2_7:
0x3f: {  	p2 =	sne.s32 s28, $0x3F0;
	[tilespmem:s25+$0x1100] =	vst v0;
	s25 =	sor.u32 s29, s30  }
0x40: {  	v0 =	vld [tilespmem:s25+$0x1100];
	_ =	sdelay $0x1  }
.Ltmp5:
0x41: {  	(pc) =	sbr.rel @p2 .LBB2_7-.Ltmp5, $3  }
0x42: {  	_ =	sdelay $0x1  }
0x43: {  	s26 =	sadd.s32 $0x80, s26;
	v0 =	vmul.f32 $3.200000000e+01, v0  }
0x44: {  	s29 =	sand.u32 $0x70, s28;
	s28 =	sadd.s32 $0x10, s28;
	s30 =	sand.u32 $0x1C00, s26  }
0x45: {  	s26 =	sor.u32 s29, s30;
	[tilespmem:s25+$0x1100] =	vst v0  }
0x46: {  	v0 =	vld [tilespmem:s26+$0x1100];
	_ =	sdelay $0x4  }
0x47: {  	v0 =	vmul.f32 $3.200000000e+01, v0;
	_ =	sdelay $0x1  }
0x48: {  	s22 =	sor.u32 s22, s23;
	[tilespmem:s26+$0x1100] =	vst v0  }
0x49: {  	v0 =	vld [tilespmem:s22+$0x1180];
	_ =	sdelay $0x4  }
0x4a: {  	s23 =	simm.s32 $0x80;
	v0 =	vmul.f32 $3.200000000e+01, v0  }
0x4b: {  	s25 =	sand.u32 $0x70, s24;
	s24 =	simm.s32 $0x20;
	s26 =	sand.u32 $0x1C00, s23  }
.LBB2_9:
0x4c: {  	p2 =	sne.s32 s24, $0x3F0;
	[tilespmem:s22+$0x1180] =	vst v0;
	s22 =	sor.u32 s25, s26  }
0x4d: {  	v0 =	vld [tilespmem:s22+$0x1180];
	_ =	sdelay $0x1  }
.Ltmp6:
0x4e: {  	(pc) =	sbr.rel @p2 .LBB2_9-.Ltmp6, $3  }
0x4f: {  	_ =	sdelay $0x1  }
0x50: {  	s23 =	sadd.s32 $0x80, s23;
	v0 =	vmul.f32 $3.200000000e+01, v0  }
0x51: {  	s25 =	sand.u32 $0x70, s24;
	s24 =	sadd.s32 $0x10, s24;
	s26 =	sand.u32 $0x1C00, s23  }
0x52: {  	s24 =	sor.u32 s25, s26;
	[tilespmem:s22+$0x1180] =	vst v0  }
0x53: {  	v0 =	vld [tilespmem:s24+$0x1180];
	_ =	sdelay $0x4  }
0x54: {  	s23 =	simm.s32 $0x0;
	v0 =	vmul.f32 $3.200000000e+01, v0  }
0x55: {  	s22 =	sand.u32 $0x70, s23;
	s23 =	sand.u32 $0x1C00, s23  }
0x56: {  	s25 =	sor.u32 s22, s23;
	[tilespmem:s24+$0x1180] =	vst v0  }
0x57: {  	v0 =	vld [tilespmem:s25+$0x1200];
	_ =	sdelay $0x4  }
0x58: {  	s26 =	simm.s32 $0x80;
	s24 =	simm.s32 $0x10;
	v0 =	vmul.f32 $3.200000000e+01, v0  }
0x59: {  	s28 =	simm.s32 $0x20;
	s30 =	sand.u32 $0x1C00, s26;
	s29 =	sand.u32 $0x70, s24  }
.LBB2_11:
0x5a: {  	p2 =	sne.s32 s28, $0x3F0;
	[tilespmem:s25+$0x1200] =	vst v0;
	s25 =	sor.u32 s29, s30  }
0x5b: {  	v0 =	vld [tilespmem:s25+$0x1200];
	_ =	sdelay $0x1  }
.Ltmp7:
0x5c: {  	(pc) =	sbr.rel @p2 .LBB2_11-.Ltmp7, $3  }
0x5d: {  	_ =	sdelay $0x1  }
0x5e: {  	s26 =	sadd.s32 $0x80, s26;
	v0 =	vmul.f32 $3.200000000e+01, v0  }
0x5f: {  	s29 =	sand.u32 $0x70, s28;
	s28 =	sadd.s32 $0x10, s28;
	s30 =	sand.u32 $0x1C00, s26  }
0x60: {  	s26 =	sor.u32 s29, s30;
	[tilespmem:s25+$0x1200] =	vst v0  }
0x61: {  	v0 =	vld [tilespmem:s26+$0x1200];
	_ =	sdelay $0x4  }
0x62: {  	v0 =	vmul.f32 $3.200000000e+01, v0;
	_ =	sdelay $0x1  }
0x63: {  	s22 =	sor.u32 s22, s23;
	[tilespmem:s26+$0x1200] =	vst v0  }
0x64: {  	v0 =	vld [tilespmem:s22+$0x1280];
	_ =	sdelay $0x4  }
0x65: {  	s23 =	simm.s32 $0x80;
	v0 =	vmul.f32 $3.200000000e+01, v0  }
0x66: {  	s25 =	sand.u32 $0x70, s24;
	s24 =	simm.s32 $0x20;
	s26 =	sand.u32 $0x1C00, s23  }
.LBB2_13:
0x67: {  	p2 =	sne.s32 s24, $0x3F0;
	[tilespmem:s22+$0x1280] =	vst v0;
	s22 =	sor.u32 s25, s26  }
0x68: {  	v0 =	vld [tilespmem:s22+$0x1280];
	_ =	sdelay $0x1  }
.Ltmp8:
0x69: {  	(pc) =	sbr.rel @p2 .LBB2_13-.Ltmp8, $3  }
0x6a: {  	_ =	sdelay $0x1  }
0x6b: {  	s23 =	sadd.s32 $0x80, s23;
	v0 =	vmul.f32 $3.200000000e+01, v0  }
0x6c: {  	s25 =	sand.u32 $0x70, s24;
	s24 =	sadd.s32 $0x10, s24;
	s26 =	sand.u32 $0x1C00, s23  }
0x6d: {  	s23 =	sor.u32 s25, s26;
	[tilespmem:s22+$0x1280] =	vst v0  }
0x6e: {  	v0 =	vld [tilespmem:s23+$0x1280];
	_ =	sdelay $0x4  }
0x6f: {  	s22 =	simm.s32 $0x0;
	v0 =	vmul.f32 $3.200000000e+01, v0  }
0x70: {  	s24 =	sand.u32 $0x70, s22;
	s31 =	sand.u32 $0x1C00, s22  }
0x71: {  	s24 =	sor.u32 s24, s31;
	[tilespmem:s23+$0x1280] =	vst v0  }
0x72: {  	v0 =	vld [tilespmem:s24+$0x1300];
	_ =	sdelay $0x4  }
0x73: {  	s25 =	simm.s32 $0x80;
	s23 =	simm.s32 $0x10;
	v0 =	vmul.f32 $3.200000000e+01, v0  }
0x74: {  	s26 =	simm.s32 $0x20;
	s29 =	sand.u32 $0x1C00, s25;
	s28 =	sand.u32 $0x70, s23  }
.LBB2_15:
0x75: {  	p2 =	sne.s32 s26, $0x3F0;
	[tilespmem:s24+$0x1300] =	vst v0;
	s24 =	sor.u32 s28, s29  }
0x76: {  	v0 =	vld [tilespmem:s24+$0x1300];
	_ =	sdelay $0x1  }
.Ltmp9:
0x77: {  	(pc) =	sbr.rel @p2 .LBB2_15-.Ltmp9, $3  }
0x78: {  	_ =	sdelay $0x1  }
0x79: {  	s25 =	sadd.s32 $0x80, s25;
	v0 =	vmul.f32 $3.200000000e+01, v0  }
0x7a: {  	s28 =	sand.u32 $0x70, s26;
	s26 =	sadd.s32 $0x10, s26;
	s29 =	sand.u32 $0x1C00, s25  }
0x7b: {  	s25 =	sor.u32 s28, s29;
	[tilespmem:s24+$0x1300] =	vst v0  }
0x7c: {  	v0 =	vld [tilespmem:s25+$0x1300];
	_ =	sdelay $0x4  }
0x7d: {  	v0 =	vmul.f32 $3.200000000e+01, v0  }
0x7e: {  	s22 =	sor.u32 s22, s22  }
0x7f: {  	s22 =	sor.u32 $0x380, s22;
	[tilespmem:s25+$0x1300] =	vst v0  }
0x80: {  	v0 =	vld [tilespmem:s22+$0x1000];
	_ =	sdelay $0x4  }
0x81: {  	s24 =	simm.s32 $0x80;
	v0 =	vmul.f32 $3.200000000e+01, v0  }
0x82: {  	s25 =	sor.u32 s24, s23;
	s23 =	simm.s32 $0x20  }
.LBB2_17:
0x83: {  	p2 =	sne.s32 s23, $0x3F0;
	[tilespmem:s22+$0x1000] =	vst v0;
	s22 =	sor.u32 $0x380, s25  }
0x84: {  	v0 =	vld [tilespmem:s22+$0x1000];
	_ =	sdelay $0x1  }
.Ltmp10:
0x85: {  	(pc) =	sbr.rel @p2 .LBB2_17-.Ltmp10, $3  }
0x86: {  	_ =	sdelay $0x1  }
0x87: {  	s24 =	sadd.s32 $0x80, s24;
	v0 =	vmul.f32 $3.200000000e+01, v0  }
0x88: {  	s25 =	sor.u32 s24, s23;
	s23 =	sadd.s32 $0x10, s23  }
0x89: {  	s23 =	sor.u32 $0x380, s25;
	[tilespmem:s22+$0x1000] =	vst v0  }
0x8a: {  	v0 =	vld [tilespmem:s23+$0x1000];
	_ =	sdelay $0x4  }
0x8b: {  	v0 =	vmul.f32 $3.200000000e+01, v0;
	_ =	sdelay $0x1  }
0x8c: {  	[tilespmem:s23+$0x1000] =	vst v0  }
0x8d: {  	[spmem:s5] =	stream.linear.scatter [tilespmem:s11], [sflag:$0x2], $0x2000, $0x38;
	[tilespmem:$0x3000] =	vst v63  }
0x8e: {  	_ =	swait.ge [sflag:s12], $0x2000  }
0x8f: {  	[sflag:s12] =	ssyncset.done $0x0  }
0x90: {  	[sflag:s12] =	ssyncadd.s32 $0xFFFFE000  }
.LBB2_19:
.Ltmp11:
0x91: {  	(pc) =	sbr.rel @!p0 .LBB2_20-.Ltmp11, $3  }
0x92: {  	_ =	sdelay $0x1  }
0x93: {  	s23 =	sshll.u32 s3, $0x6;
	[bflag:$0x0] =	sbarrier.arrive $0xFFFF  }
0x94: {  	s22 =	sshrl.u32 s1, $0x3;
	s23 =	sor.u32 $0x1C01, s23  }
0x95: {  	[hbm:s7], [sflag:s23] =	dma.local [spmem:s22], $0x2000  }
0x96: {  	s22 =	simm.s32 $0x0  }
0x97: {  	[tilespmem:s11], [sflag:$0x2] =	stream.linear.gather [hbm4b:s8+s22], $0x80, $0x38;
	[tilespmem:$0x3000] =	vst v63  }
0x98: {  	s31 =	sadd.s32 $0x80, s8  }
0x99: {  	[tilespmem:s13], [sflag:$0x2] =	stream.linear.gather [hbm4b:s31+s22], $0x80, $0x38;
	[tilespmem:$0x3000] =	vst v63  }
0x9a: {  	s24 =	sadd.s32 $0x100, s8  }
0x9b: {  	[tilespmem:s14], [sflag:$0x2] =	stream.linear.gather [hbm4b:s24+s22], $0x80, $0x38;
	[tilespmem:$0x3000] =	vst v63  }
0x9c: {  	s25 =	sadd.s32 $0x180, s8  }
0x9d: {  	[tilespmem:s15], [sflag:$0x2] =	stream.linear.gather [hbm4b:s25+s22], $0x80, $0x38;
	[tilespmem:$0x3000] =	vst v63  }
0x9e: {  	s26 =	sadd.s32 $0x200, s8  }
0x9f: {  	[tilespmem:s16], [sflag:$0x2] =	stream.linear.gather [hbm4b:s26+s22], $0x80, $0x38;
	[tilespmem:$0x3000] =	vst v63  }
0xa0: {  	s28 =	sadd.s32 $0x280, s8  }
0xa1: {  	[tilespmem:s17], [sflag:$0x2] =	stream.linear.gather [hbm4b:s28+s22], $0x80, $0x38;
	[tilespmem:$0x3000] =	vst v63  }
0xa2: {  	s29 =	sadd.s32 $0x300, s8  }
0xa3: {  	[tilespmem:s18], [sflag:$0x2] =	stream.linear.gather [hbm4b:s29+s22], $0x80, $0x38;
	[tilespmem:$0x3000] =	vst v63  }
0xa4: {  	s30 =	sadd.s32 $0x380, s8  }
0xa5: {  	[tilespmem:s19], [sflag:$0x2] =	stream.linear.gather [hbm4b:s30+s22], $0x80, $0x38;
	[tilespmem:$0x3000] =	vst v63  }
0xa6: {  	_ =	swait.ge [sflag:s12], $0x400  }
0xa7: {  	s31 =	sand.u32 $0x70, s22;
	s22 =	sand.u32 $0x1C00, s22;
	[sflag:s12] =	ssyncset.done $0x0  }
0xa8: {  	s22 =	sor.u32 s31, s22;
	[sflag:s12] =	ssyncadd.s32 $0xFFFFFC00  }
0xa9: {  	v0 =	vld [tilespmem:s22+$0x1000];
	_ =	sdelay $0x4  }
0xaa: {  	s23 =	simm.s32 $0x80;
	s24 =	simm.s32 $0x10;
	v0 =	vmul.f32 $3.200000000e+01, v0  }
0xab: {  	s25 =	sand.u32 $0x70, s24;
	s24 =	simm.s32 $0x20;
	s26 =	sand.u32 $0x1C00, s23  }
.LBB2_22:
0xac: {  	p2 =	sne.s32 s24, $0x3F0;
	[tilespmem:s22+$0x1000] =	vst v0;
	s22 =	sor.u32 s25, s26  }
0xad: {  	v0 =	vld [tilespmem:s22+$0x1000];
	_ =	sdelay $0x1  }
.Ltmp12:
0xae: {  	(pc) =	sbr.rel @p2 .LBB2_22-.Ltmp12, $3  }
0xaf: {  	_ =	sdelay $0x1  }
0xb0: {  	s23 =	sadd.s32 $0x80, s23;
	v0 =	vmul.f32 $3.200000000e+01, v0  }
0xb1: {  	s25 =	sand.u32 $0x70, s24;
	s24 =	sadd.s32 $0x10, s24;
	s26 =	sand.u32 $0x1C00, s23  }
0xb2: {  	s23 =	sor.u32 s25, s26;
	[tilespmem:s22+$0x1000] =	vst v0  }
0xb3: {  	v0 =	vld [tilespmem:s23+$0x1000];
	_ =	sdelay $0x4  }
0xb4: {  	v0 =	vmul.f32 $3.200000000e+01, v0;
	_ =	sdelay $0x1  }
0xb5: {  	[tilespmem:s23+$0x1000] =	vst v0  }
0xb6: {  	[hbm4b:s9+s2] =	stream.linear.scatter [tilespmem:s11], [sflag:$0x2], $0x80, $0x38;
	[tilespmem:$0x3000] =	vst v63  }
0xb7: {  	s24 =	sadd.s32 $0x80, s9  }
0xb8: {  	[hbm4b:s24+s2] =	stream.linear.scatter [tilespmem:s13], [sflag:$0x2], $0x80, $0x38;
	[tilespmem:$0x3000] =	vst v63  }
0xb9: {  	s25 =	sadd.s32 $0x100, s9  }
0xba: {  	[hbm4b:s25+s2] =	stream.linear.scatter [tilespmem:s14], [sflag:$0x2], $0x80, $0x38;
	[tilespmem:$0x3000] =	vst v63  }
0xbb: {  	s26 =	sadd.s32 $0x180, s9  }
0xbc: {  	[hbm4b:s26+s2] =	stream.linear.scatter [tilespmem:s15], [sflag:$0x2], $0x80, $0x38;
	[tilespmem:$0x3000] =	vst v63  }
0xbd: {  	s28 =	sadd.s32 $0x200, s9  }
0xbe: {  	[hbm4b:s28+s2] =	stream.linear.scatter [tilespmem:s16], [sflag:$0x2], $0x80, $0x38;
	[tilespmem:$0x3000] =	vst v63  }
0xbf: {  	s29 =	sadd.s32 $0x280, s9  }
0xc0: {  	[hbm4b:s29+s2] =	stream.linear.scatter [tilespmem:s17], [sflag:$0x2], $0x80, $0x38;
	[tilespmem:$0x3000] =	vst v63  }
0xc1: {  	s30 =	sadd.s32 $0x300, s9  }
0xc2: {  	[hbm4b:s30+s2] =	stream.linear.scatter [tilespmem:s18], [sflag:$0x2], $0x80, $0x38;
	[tilespmem:$0x3000] =	vst v63  }
.Ltmp13:
0xc3: {  	s31 =	sadd.s32 $0x380, s9;
	(pc) =	sbr.rel .LBB2_24-.Ltmp13, $4  }
0xc4: {  	[hbm4b:s31+s2] =	stream.linear.scatter [tilespmem:s19], [sflag:$0x2], $0x80, $0x38;
	[tilespmem:$0x3000] =	vst v63  }
0xc5: {  	_ =	swait.ge [sflag:s12], $0x400  }
0xc6: {  	[sflag:s12] =	ssyncset.done $0x0  }
0xc7: {  	[sflag:s12] =	ssyncadd.s32 $0xFFFFFC00  }
.LBB2_25:
0xc8: {  	_ =	sfence.sel $0x180000  }
0xc9: {  	[bflag:$0x0] =	sbarrier.arrive $0xFFFF  }
0xca: {  	p0 =	sne.s32 s3, $0x0;
	_ =	strace $0x90000047  }
0xcb: {  	s0 =	sadd.s32 @!p0 $0x100000, s0;
	[bflag:$0x2] =	sbarrier.arrive $0xFFFF  }
0xcc: {  	[sflag:s0] =	ssyncadd.tile.s32 @!p0 $0x1;
	_ =	shalt  }
.Lfunc_end2:
_tile_overlayer_lowered:
.L_overlay_start_2:
0xcd: {  	(tag) =	ssettag $0x2  }
0xce: {  	s0 =	rddreg [dreg:$0x0];
	s2 =	stileid.u32  }
0xcf: {  	s1 =	rddreg [dreg:$0x1];
	p0 =	sne.s32 s2, $0x0  }
0xd0: {  	s3 =	rddreg [dreg:$0x2];
	[bflag:$0x3] =	sbarrier.arrive $0xFFFF;
	s2 =	simm.s32 @!p0 $0x1C02  }
0xd1: {  	[timem:s3], [sflag:s2] =	dma.local @!p0 [hbm:s0], s1  }
0xd2: {  	s0 =	simm.s32 @!p0 $0x2  }
0xd3: {  	_ =	swait.ge @!p0 [sflag:s0], s1  }
0xd4: {  	s1 =	ssub.s32 @!p0 $0x0, s1;
	[sflag:s0] =	ssyncset.done @!p0 $0x0  }
0xd5: {  	[sflag:s0] =	ssyncadd.s32 @!p0 s1  }
0xd6: {  	[bflag:$0x3] =	sbarrier.arrive $0xFFFF  }
0xd7: {  	_ =	shalt  }

</sc_bundles>
